<compile_context>
chip_gen: v7x
topology: tpu7x:2x2x1
jax: 0.10.2.dev20260603
libtpu: 0.0.44.dev20260713+nightly
codegen_flags: <defaults>
</compile_context>

<pallas_src>
import functools

import jax
import jax.numpy as jnp
from jax import lax
from jax.experimental import pallas as pl
from jax.experimental.pallas import tpu as pltpu
from jax.experimental.pallas import tpu_sc as plsc

EMBED = 128
N_CTX = 4096 * 20
N_TGT = 4096
N_NOISE = 4096 * 20
TOTAL = N_CTX + N_TGT + N_NOISE

NC = 2
NS = 16
NW = NC * NS
ROWS_W = TOTAL // NW
CHUNK = 256
NCHUNK_W = ROWS_W // CHUNK
HALF = 128
CTX_HALVES = N_CTX // HALF
TGT_HALVES = N_TGT // HALF
NBUF = 3

_mesh = plsc.VectorSubcoreMesh(core_axis_name="c", subcore_axis_name="s")


@functools.partial(
    pl.kernel,
    mesh=_mesh,
    out_type=(
        jax.ShapeDtypeStruct((N_CTX, EMBED), jnp.float32),
        jax.ShapeDtypeStruct((N_TGT, EMBED), jnp.float32),
        jax.ShapeDtypeStruct((N_NOISE, EMBED), jnp.float32),
    ),
    scratch_types=[
        pltpu.VMEM((ROWS_W,), jnp.int32),
        pltpu.VMEM((NBUF, CHUNK, EMBED), jnp.float32),
        pltpu.SemaphoreType.DMA,
        pltpu.SemaphoreType.DMA,
    ],
)
def _gather_all(idx_hbm, table_hbm, ctx_hbm, tgt_hbm, noise_hbm,
                idx_v, rows_v, sem_g, sem_s):
    wid = lax.axis_index("s") * NC + lax.axis_index("c")
    base_row = wid * ROWS_W
    pltpu.sync_copy(idx_hbm.at[wid], idx_v)

    def start_gather(j):
        pltpu.async_copy(
            table_hbm.at[idx_v.at[pl.ds(j * CHUNK, CHUNK)]],
            rows_v.at[lax.rem(j, NBUF)],
            sem_g,
        )

    def store_half(buf, half, h):
        @pl.when(h < CTX_HALVES)
        def _():
            pltpu.async_copy(
                rows_v.at[buf, pl.ds(half * HALF, HALF)],
                ctx_hbm.at[pl.ds(h * HALF, HALF)],
                sem_s,
            )

        @pl.when(jnp.logical_and(h >= CTX_HALVES, h < CTX_HALVES + TGT_HALVES))
        def _():
            pltpu.async_copy(
                rows_v.at[buf, pl.ds(half * HALF, HALF)],
                tgt_hbm.at[pl.ds((h - CTX_HALVES) * HALF, HALF)],
                sem_s,
            )

        @pl.when(h >= CTX_HALVES + TGT_HALVES)
        def _():
            pltpu.async_copy(
                rows_v.at[buf, pl.ds(half * HALF, HALF)],
                noise_hbm.at[pl.ds((h - CTX_HALVES - TGT_HALVES) * HALF, HALF)],
                sem_s,
            )

    def wait_store():
        pltpu.make_async_copy(
            rows_v.at[0, pl.ds(0, HALF)], ctx_hbm.at[pl.ds(0, HALF)], sem_s
        ).wait()

    for j in range(NBUF - 1):
        start_gather(jnp.int32(j))

    def body(j, carry):
        buf = lax.rem(j, NBUF)
        pltpu.make_async_copy(
            table_hbm.at[idx_v.at[pl.ds(0, CHUNK)]], rows_v.at[buf], sem_g
        ).wait()


        @pl.when(j + NBUF - 1 < NCHUNK_W)
        def _():
            start_gather(j + NBUF - 1)

        return carry

    lax.fori_loop(0, NCHUNK_W, body, 0)

    tail_buf = lax.rem(jnp.int32(NCHUNK_W), NBUF)
    pltpu.async_copy(
        table_hbm.at[idx_v.at[pl.ds(NCHUNK_W * CHUNK, HALF)]],
        rows_v.at[tail_buf, pl.ds(0, HALF)],
        sem_g,
    ).wait()
    store_half(tail_buf, 0, (base_row + NCHUNK_W * CHUNK) // HALF)
    wait_store()


def kernel(context_ids, target_ids, noise_ids, embeddings):
    idx = jnp.concatenate(
        [
            context_ids.T.reshape(-1).astype(jnp.int32),
            target_ids.reshape(-1).astype(jnp.int32),
            noise_ids.T.reshape(-1).astype(jnp.int32),
        ]
    ).reshape(NW, ROWS_W)
    ctx, tgt, noise = _gather_all(idx, embeddings)
    return (
        ctx.reshape(20, 4096, EMBED).transpose(1, 0, 2),
        tgt,
        noise.reshape(20, 4096, EMBED).transpose(1, 0, 2),
    )

# --- scband reference (transcript-rebuilt; emitter-appended) ---
"""Pipeline reference for scband-word2-vec-63952063037554 (READ-ONLY COPY).

The authoritative reference and input builder live on the scoring server;
editing this copy changes nothing except your own understanding.
"""

import jax, jax.numpy as jnp
import numpy as np

VOCAB = 100000
EMBED = 128

def setup_inputs(seed: int = 0) -> dict:
    key = jax.random.key(seed)
    k1, k2, k3, k4 = jax.random.split(key, 4)
    context_ids = jax.random.randint(k1, (4096, 20), 0, VOCAB, dtype=jnp.int64 if jax.config.jax_enable_x64 else jnp.int32)
    target_ids = jax.random.randint(k2, (4096,), 0, VOCAB, dtype=jnp.int64 if jax.config.jax_enable_x64 else jnp.int32)
    noise_ids = jax.random.randint(k3, (4096, 20), 0, VOCAB, dtype=jnp.int64 if jax.config.jax_enable_x64 else jnp.int32)
    embeddings = jax.random.normal(k4, (VOCAB, EMBED), dtype=jnp.float32)
    return {"context_ids": context_ids, "target_ids": target_ids, "noise_ids": noise_ids, "embeddings": embeddings}

def reference(context_ids, target_ids, noise_ids, embeddings):
    # Faithful translation of Word2Vec.forward: three embedding gathers
    context_embeddings = jnp.take(embeddings, context_ids, axis=0)
    target_embeddings = jnp.take(embeddings, target_ids, axis=0)
    noise_embeddings = jnp.take(embeddings, noise_ids, axis=0)
    return (context_embeddings, target_embeddings, noise_embeddings)

if __name__ == "__main__":
    import jax
    _d = setup_inputs()
    print(jax.jit(kernel)(*tuple(_d.values())))

</pallas_src>

<mosaic_0001>
#map = affine_map<(d0, d1) -> (0, 0)>
module attributes {stable_mosaic.version = 14 : i64} {
  func.func @_gather_all(%arg0: i32, %arg1: i32, %arg2: memref<32x5248xi32, #tpu.memory_space<hbm>>, %arg3: memref<100000x128xf32, #tpu.memory_space<hbm>>, %arg4: memref<81920x128xf32, #tpu.memory_space<hbm>>, %arg5: memref<4096x128xf32, #tpu.memory_space<hbm>>, %arg6: memref<81920x128xf32, #tpu.memory_space<hbm>>, %arg7: memref<5248xi32, #tpu.memory_space<vmem>>, %arg8: memref<3x256x128xf32, #tpu.memory_space<vmem>>, %arg9: memref<!tpu.dma_semaphore, #tpu.memory_space<semaphore_mem>>, %arg10: memref<!tpu.dma_semaphore, #tpu.memory_space<semaphore_mem>>) attributes {dimension_semantics = [#tpu.dimension_semantics<core_parallel>, #tpu.dimension_semantics<subcore_parallel>], iteration_bounds = array<i64: 2, 16>, scalar_prefetch = 0 : i64, scratch_operands = 4 : i64, tpu.core_type = #tpu.core_type<sc_vector_subcore>, window_params = [{transform_indices = #map}, {transform_indices = #map}, {transform_indices = #map}, {transform_indices = #map}, {transform_indices = #map}]} {
    %mul3A = arith.constant 2 : i32
    %mul3A_0 = arith.muli %arg1, %mul3A : i32
    %add3A = arith.addi %mul3A_0, %arg0 : i32
    %mul3A_1 = arith.constant 5248 : i32
    %mul3A_2 = arith.muli %add3A, %mul3A_1 : i32
    "tpu.region"() ({
      %run_scoped3A = tpu.sem_alloc : memref<!tpu.dma_semaphore, #tpu.memory_space<semaphore_mem>>
      %dma_start3A_102 = arith.constant 0 : i32
      %dma_start3A_103 = tpu.memref_slice %arg2[%add3A, %dma_start3A_102] : memref<32x5248xi32, #tpu.memory_space<hbm>> -> memref<1x5248xi32, #tpu.memory_space<hbm>>
      %dma_start3A_104 = tpu.memref_squeeze %dma_start3A_103 : memref<1x5248xi32, #tpu.memory_space<hbm>> -> memref<5248xi32, #tpu.memory_space<hbm>>
      %dma_start3A_105 = arith.constant 0 : i32
      %dma_start3A_106 = tpu.memref_slice %arg2[%add3A, %dma_start3A_105] : memref<32x5248xi32, #tpu.memory_space<hbm>> -> memref<1x5248xi32, #tpu.memory_space<hbm>>
      %dma_start3A_107 = tpu.memref_squeeze %dma_start3A_106 : memref<1x5248xi32, #tpu.memory_space<hbm>> -> memref<5248xi32, #tpu.memory_space<hbm>>
      tpu.enqueue_dma source(%dma_start3A_107 : memref<5248xi32, #tpu.memory_space<hbm>>) target(%arg7 : memref<5248xi32, #tpu.memory_space<vmem>>) target_semaphore(%run_scoped3A : memref<!tpu.dma_semaphore, #tpu.memory_space<semaphore_mem>>)
      %dma_wait3A_108 = arith.constant 0 : i32
      %dma_wait3A_109 = tpu.memref_slice %arg2[%add3A, %dma_wait3A_108] : memref<32x5248xi32, #tpu.memory_space<hbm>> -> memref<1x5248xi32, #tpu.memory_space<hbm>>
      %dma_wait3A_110 = tpu.memref_squeeze %dma_wait3A_109 : memref<1x5248xi32, #tpu.memory_space<hbm>> -> memref<5248xi32, #tpu.memory_space<hbm>>
      %dma_wait3A_111 = arith.constant 0 : i32
      %dma_wait3A_112 = tpu.memref_slice %arg2[%add3A, %dma_wait3A_111] : memref<32x5248xi32, #tpu.memory_space<hbm>> -> memref<1x5248xi32, #tpu.memory_space<hbm>>
      %dma_wait3A_113 = tpu.memref_squeeze %dma_wait3A_112 : memref<1x5248xi32, #tpu.memory_space<hbm>> -> memref<5248xi32, #tpu.memory_space<hbm>>
      tpu.wait_dma2 semaphore(%run_scoped3A : memref<!tpu.dma_semaphore, #tpu.memory_space<semaphore_mem>>) src(%dma_wait3A_113 : memref<5248xi32, #tpu.memory_space<hbm>>) dst(%arg7 : memref<5248xi32, #tpu.memory_space<vmem>>)
      tpu.yield
    }) : () -> ()
    %mul3A_3 = arith.constant 0 : i32
    %mul3A_4 = arith.constant 256 : i32
    %mul3A_5 = arith.muli %mul3A_3, %mul3A_4 : i32
    %rem3A = arith.constant 0 : i32
    %rem3A_6 = arith.constant 3 : i32
    %rem3A_7 = arith.remsi %rem3A, %rem3A_6 : i32
    %dma_start3A = arith.constant 0 : i32
    %dma_start3A_8 = arith.constant 0 : i32
    %dma_start3A_9 = tpu.memref_slice %arg8[%rem3A_7, %dma_start3A, %dma_start3A_8] : memref<3x256x128xf32, #tpu.memory_space<vmem>> -> memref<1x256x128xf32, #tpu.memory_space<vmem>>
    %dma_start3A_10 = tpu.memref_squeeze %dma_start3A_9 : memref<1x256x128xf32, #tpu.memory_space<vmem>> -> memref<256x128xf32, #tpu.memory_space<vmem>>
    %dma_start3A_11 = tpu.memref_slice %arg7[%mul3A_5] : memref<5248xi32, #tpu.memory_space<vmem>> -> memref<256xi32, #tpu.memory_space<vmem>>
    %dma_start3A_12 = arith.constant 0 : i32
    %dma_start3A_13 = arith.constant 0 : i32
    %dma_start3A_14 = tpu.memref_slice %arg3[%dma_start3A_12, %dma_start3A_13] : memref<100000x128xf32, #tpu.memory_space<hbm>> -> memref<100000x128xf32, #tpu.memory_space<hbm>>
    tpu.enqueue_indirect_dma source(%dma_start3A_14 : memref<100000x128xf32, #tpu.memory_space<hbm>>) target(%dma_start3A_10 : memref<256x128xf32, #tpu.memory_space<vmem>>) offsets(%dma_start3A_11 : memref<256xi32, #tpu.memory_space<vmem>>) semaphore(%arg9 : memref<!tpu.dma_semaphore, #tpu.memory_space<semaphore_mem>>)
    %mul3A_15 = arith.constant 1 : i32
    %mul3A_16 = arith.constant 256 : i32
    %mul3A_17 = arith.muli %mul3A_15, %mul3A_16 : i32
    %rem3A_18 = arith.constant 1 : i32
    %rem3A_19 = arith.constant 3 : i32
    %rem3A_20 = arith.remsi %rem3A_18, %rem3A_19 : i32
    %dma_start3A_21 = arith.constant 0 : i32
    %dma_start3A_22 = arith.constant 0 : i32
    %dma_start3A_23 = tpu.memref_slice %arg8[%rem3A_20, %dma_start3A_21, %dma_start3A_22] : memref<3x256x128xf32, #tpu.memory_space<vmem>> -> memref<1x256x128xf32, #tpu.memory_space<vmem>>
    %dma_start3A_24 = tpu.memref_squeeze %dma_start3A_23 : memref<1x256x128xf32, #tpu.memory_space<vmem>> -> memref<256x128xf32, #tpu.memory_space<vmem>>
    %dma_start3A_25 = tpu.memref_slice %arg7[%mul3A_17] : memref<5248xi32, #tpu.memory_space<vmem>> -> memref<256xi32, #tpu.memory_space<vmem>>
    %dma_start3A_26 = arith.constant 0 : i32
    %dma_start3A_27 = arith.constant 0 : i32
    %dma_start3A_28 = tpu.memref_slice %arg3[%dma_start3A_26, %dma_start3A_27] : memref<100000x128xf32, #tpu.memory_space<hbm>> -> memref<100000x128xf32, #tpu.memory_space<hbm>>
    tpu.enqueue_indirect_dma source(%dma_start3A_28 : memref<100000x128xf32, #tpu.memory_space<hbm>>) target(%dma_start3A_24 : memref<256x128xf32, #tpu.memory_space<vmem>>) offsets(%dma_start3A_25 : memref<256xi32, #tpu.memory_space<vmem>>) semaphore(%arg9 : memref<!tpu.dma_semaphore, #tpu.memory_space<semaphore_mem>>)
    %scan3A = arith.constant 0 : i32
    %scan3A_29 = arith.constant 0 : i32
    %scan3A_30 = arith.constant 20 : i32
    %scan3A_31 = arith.addi %scan3A_29, %scan3A_30 : i32
    %scan3A_32 = arith.constant 1 : i32
    scf.for %scan3A_102 = %scan3A_29 to %scan3A_31 step %scan3A_32  : i32 {
      %rem3A_103 = arith.constant 3 : i32
      %rem3A_104 = arith.remsi %scan3A_102, %rem3A_103 : i32
      %dma_wait3A_105 = arith.constant 0 : i32
      %dma_wait3A_106 = arith.constant 0 : i32
      %dma_wait3A_107 = tpu.memref_slice %arg8[%rem3A_104, %dma_wait3A_105, %dma_wait3A_106] : memref<3x256x128xf32, #tpu.memory_space<vmem>> -> memref<1x256x128xf32, #tpu.memory_space<vmem>>
      %dma_wait3A_108 = tpu.memref_squeeze %dma_wait3A_107 : memref<1x256x128xf32, #tpu.memory_space<vmem>> -> memref<256x128xf32, #tpu.memory_space<vmem>>
      %dma_wait3A_109 = arith.constant 0 : i32
      %dma_wait3A_110 = tpu.memref_slice %arg7[%dma_wait3A_109] : memref<5248xi32, #tpu.memory_space<vmem>> -> memref<256xi32, #tpu.memory_space<vmem>>
      %dma_wait3A_111 = arith.constant 0 : i32
      %dma_wait3A_112 = arith.constant 0 : i32
      %dma_wait3A_113 = tpu.memref_slice %arg3[%dma_wait3A_111, %dma_wait3A_112] : memref<100000x128xf32, #tpu.memory_space<hbm>> -> memref<100000x128xf32, #tpu.memory_space<hbm>>
      tpu.wait_indirect_dma semaphore(%arg9 : memref<!tpu.dma_semaphore, #tpu.memory_space<semaphore_mem>>) src(%dma_wait3A_113 : memref<100000x128xf32, #tpu.memory_space<hbm>>) dst(%dma_wait3A_108 : memref<256x128xf32, #tpu.memory_space<vmem>>)
      %add3A_114 = arith.constant 3 : i32
      %add3A_115 = arith.addi %scan3A_102, %add3A_114 : i32
      %sub3A_116 = arith.constant 1 : i32
      %sub3A_117 = arith.subi %add3A_115, %sub3A_116 : i32
      %lt3A_118 = arith.constant 20 : i32
      %lt3A_119 = arith.cmpi slt, %sub3A_117, %lt3A_118 : i32
      %convert_element_type3A_120 = arith.extui %lt3A_119 : i1 to i32
      %cond3A_121 = arith.constant 0 : i32
      %cond3A_122 = arith.cmpi ne, %convert_element_type3A_120, %cond3A_121 : i32
      scf.if %cond3A_122 {
        %add3A_123 = arith.constant 3 : i32
        %add3A_124 = arith.addi %scan3A_102, %add3A_123 : i32
        %sub3A_125 = arith.constant 1 : i32
        %sub3A_126 = arith.subi %add3A_124, %sub3A_125 : i32
        %mul3A_127 = arith.constant 256 : i32
        %mul3A_128 = arith.muli %sub3A_126, %mul3A_127 : i32
        %rem3A_129 = arith.constant 3 : i32
        %rem3A_130 = arith.remsi %sub3A_126, %rem3A_129 : i32
        %dma_start3A_131 = arith.constant 0 : i32
        %dma_start3A_132 = arith.constant 0 : i32
        %dma_start3A_133 = tpu.memref_slice %arg8[%rem3A_130, %dma_start3A_131, %dma_start3A_132] : memref<3x256x128xf32, #tpu.memory_space<vmem>> -> memref<1x256x128xf32, #tpu.memory_space<vmem>>
        %dma_start3A_134 = tpu.memref_squeeze %dma_start3A_133 : memref<1x256x128xf32, #tpu.memory_space<vmem>> -> memref<256x128xf32, #tpu.memory_space<vmem>>
        %dma_start3A_135 = tpu.memref_slice %arg7[%mul3A_128] : memref<5248xi32, #tpu.memory_space<vmem>> -> memref<256xi32, #tpu.memory_space<vmem>>
        %dma_start3A_136 = arith.constant 0 : i32
        %dma_start3A_137 = arith.constant 0 : i32
        %dma_start3A_138 = tpu.memref_slice %arg3[%dma_start3A_136, %dma_start3A_137] : memref<100000x128xf32, #tpu.memory_space<hbm>> -> memref<100000x128xf32, #tpu.memory_space<hbm>>
        tpu.enqueue_indirect_dma source(%dma_start3A_138 : memref<100000x128xf32, #tpu.memory_space<hbm>>) target(%dma_start3A_134 : memref<256x128xf32, #tpu.memory_space<vmem>>) offsets(%dma_start3A_135 : memref<256xi32, #tpu.memory_space<vmem>>) semaphore(%arg9 : memref<!tpu.dma_semaphore, #tpu.memory_space<semaphore_mem>>)
      } else {
      }
    }
    %scan3A_33 = arith.constant 20 : i32
    %rem3A_34 = arith.constant 20 : i32
    %rem3A_35 = arith.constant 3 : i32
    %rem3A_36 = arith.remsi %rem3A_34, %rem3A_35 : i32
    %dma_start3A_37 = arith.constant 0 : i32
    %dma_start3A_38 = arith.constant 0 : i32
    %dma_start3A_39 = tpu.memref_slice %arg8[%rem3A_36, %dma_start3A_37, %dma_start3A_38] : memref<3x256x128xf32, #tpu.memory_space<vmem>> -> memref<1x128x128xf32, #tpu.memory_space<vmem>>
    %dma_start3A_40 = tpu.memref_squeeze %dma_start3A_39 : memref<1x128x128xf32, #tpu.memory_space<vmem>> -> memref<128x128xf32, #tpu.memory_space<vmem>>
    %dma_start3A_41 = arith.constant 5120 : i32
    %dma_start3A_42 = tpu.memref_slice %arg7[%dma_start3A_41] : memref<5248xi32, #tpu.memory_space<vmem>> -> memref<128xi32, #tpu.memory_space<vmem>>
    %dma_start3A_43 = arith.constant 0 : i32
    %dma_start3A_44 = arith.constant 0 : i32
    %dma_start3A_45 = tpu.memref_slice %arg3[%dma_start3A_43, %dma_start3A_44] : memref<100000x128xf32, #tpu.memory_space<hbm>> -> memref<100000x128xf32, #tpu.memory_space<hbm>>
    tpu.enqueue_indirect_dma source(%dma_start3A_45 : memref<100000x128xf32, #tpu.memory_space<hbm>>) target(%dma_start3A_40 : memref<128x128xf32, #tpu.memory_space<vmem>>) offsets(%dma_start3A_42 : memref<128xi32, #tpu.memory_space<vmem>>) semaphore(%arg9 : memref<!tpu.dma_semaphore, #tpu.memory_space<semaphore_mem>>)
    %dma_wait3A = arith.constant 0 : i32
    %dma_wait3A_46 = arith.constant 0 : i32
    %dma_wait3A_47 = tpu.memref_slice %arg8[%rem3A_36, %dma_wait3A, %dma_wait3A_46] : memref<3x256x128xf32, #tpu.memory_space<vmem>> -> memref<1x128x128xf32, #tpu.memory_space<vmem>>
    %dma_wait3A_48 = tpu.memref_squeeze %dma_wait3A_47 : memref<1x128x128xf32, #tpu.memory_space<vmem>> -> memref<128x128xf32, #tpu.memory_space<vmem>>
    %dma_wait3A_49 = arith.constant 5120 : i32
    %dma_wait3A_50 = tpu.memref_slice %arg7[%dma_wait3A_49] : memref<5248xi32, #tpu.memory_space<vmem>> -> memref<128xi32, #tpu.memory_space<vmem>>
    %dma_wait3A_51 = arith.constant 0 : i32
    %dma_wait3A_52 = arith.constant 0 : i32
    %dma_wait3A_53 = tpu.memref_slice %arg3[%dma_wait3A_51, %dma_wait3A_52] : memref<100000x128xf32, #tpu.memory_space<hbm>> -> memref<100000x128xf32, #tpu.memory_space<hbm>>
    tpu.wait_indirect_dma semaphore(%arg9 : memref<!tpu.dma_semaphore, #tpu.memory_space<semaphore_mem>>) src(%dma_wait3A_53 : memref<100000x128xf32, #tpu.memory_space<hbm>>) dst(%dma_wait3A_48 : memref<128x128xf32, #tpu.memory_space<vmem>>)
    %add3A_54 = arith.constant 5120 : i32
    %add3A_55 = arith.addi %mul3A_2, %add3A_54 : i32
    %jit3A = arith.constant 128 : i32
    %div3A = arith.divsi %add3A_55, %jit3A : i32
    %sign3A = arith.constant 0 : i32
    %sign3A_56 = arith.cmpi sgt, %add3A_55, %sign3A : i32
    %sign3A_57 = arith.extui %sign3A_56 : i1 to i32
    %sign3A_58 = arith.constant 0 : i32
    %sign3A_59 = arith.cmpi slt, %add3A_55, %sign3A_58 : i32
    %sign3A_60 = arith.extui %sign3A_59 : i1 to i32
    %sign3A_61 = arith.subi %sign3A_57, %sign3A_60 : i32
    %sign3A_62 = arith.constant 0 : i32
    %sign3A_63 = arith.cmpi sgt, %jit3A, %sign3A_62 : i32
    %sign3A_64 = arith.extui %sign3A_63 : i1 to i32
    %sign3A_65 = arith.constant 0 : i32
    %sign3A_66 = arith.cmpi slt, %jit3A, %sign3A_65 : i32
    %sign3A_67 = arith.extui %sign3A_66 : i1 to i32
    %sign3A_68 = arith.subi %sign3A_64, %sign3A_67 : i32
    %ne3A = arith.cmpi ne, %sign3A_61, %sign3A_68 : i32
    %rem3A_69 = arith.remsi %add3A_55, %jit3A : i32
    %ne3A_70 = arith.constant 0 : i32
    %ne3A_71 = arith.cmpi ne, %rem3A_69, %ne3A_70 : i32
    %and3A = arith.andi %ne3A, %ne3A_71 : i1
    %sub3A = arith.constant 1 : i32
    %sub3A_72 = arith.subi %div3A, %sub3A : i32
    %select_n3A = arith.select %and3A, %sub3A_72, %div3A : i32
    %lt3A = arith.constant 640 : i32
    %lt3A_73 = arith.cmpi slt, %select_n3A, %lt3A : i32
    %convert_element_type3A = arith.extui %lt3A_73 : i1 to i32
    %cond3A = arith.constant 0 : i32
    %cond3A_74 = arith.cmpi ne, %convert_element_type3A, %cond3A : i32
    scf.if %cond3A_74 {
      %mul3A_102 = arith.constant 128 : i32
      %mul3A_103 = arith.muli %select_n3A, %mul3A_102 : i32
      %dma_start3A_104 = arith.constant 0 : i32
      %dma_start3A_105 = arith.constant 0 : i32
      %dma_start3A_106 = tpu.memref_slice %arg8[%rem3A_36, %dma_start3A_104, %dma_start3A_105] : memref<3x256x128xf32, #tpu.memory_space<vmem>> -> memref<1x128x128xf32, #tpu.memory_space<vmem>>
      %dma_start3A_107 = tpu.memref_squeeze %dma_start3A_106 : memref<1x128x128xf32, #tpu.memory_space<vmem>> -> memref<128x128xf32, #tpu.memory_space<vmem>>
      %dma_start3A_108 = arith.constant 0 : i32
      %dma_start3A_109 = tpu.memref_slice %arg4[%mul3A_103, %dma_start3A_108] : memref<81920x128xf32, #tpu.memory_space<hbm>> -> memref<128x128xf32, #tpu.memory_space<hbm>>
      %dma_start3A_110 = arith.constant 0 : i32
      %dma_start3A_111 = tpu.memref_slice %arg4[%mul3A_103, %dma_start3A_110] : memref<81920x128xf32, #tpu.memory_space<hbm>> -> memref<128x128xf32, #tpu.memory_space<hbm>>
      %dma_start3A_112 = arith.constant 0 : i32
      %dma_start3A_113 = arith.constant 0 : i32
      %dma_start3A_114 = tpu.memref_slice %arg8[%rem3A_36, %dma_start3A_112, %dma_start3A_113] : memref<3x256x128xf32, #tpu.memory_space<vmem>> -> memref<1x128x128xf32, #tpu.memory_space<vmem>>
      %dma_start3A_115 = tpu.memref_squeeze %dma_start3A_114 : memref<1x128x128xf32, #tpu.memory_space<vmem>> -> memref<128x128xf32, #tpu.memory_space<vmem>>
      tpu.enqueue_dma source(%dma_start3A_115 : memref<128x128xf32, #tpu.memory_space<vmem>>) target(%dma_start3A_111 : memref<128x128xf32, #tpu.memory_space<hbm>>) target_semaphore(%arg10 : memref<!tpu.dma_semaphore, #tpu.memory_space<semaphore_mem>>)
    } else {
    }
    %ge3A = arith.constant 640 : i32
    %ge3A_75 = arith.cmpi sge, %select_n3A, %ge3A : i32
    %lt3A_76 = arith.constant 672 : i32
    %lt3A_77 = arith.cmpi slt, %select_n3A, %lt3A_76 : i32
    %and3A_78 = arith.andi %ge3A_75, %lt3A_77 : i1
    %convert_element_type3A_79 = arith.extui %and3A_78 : i1 to i32
    %cond3A_80 = arith.constant 0 : i32
    %cond3A_81 = arith.cmpi ne, %convert_element_type3A_79, %cond3A_80 : i32
    scf.if %cond3A_81 {
      %sub3A_102 = arith.constant 640 : i32
      %sub3A_103 = arith.subi %select_n3A, %sub3A_102 : i32
      %mul3A_104 = arith.constant 128 : i32
      %mul3A_105 = arith.muli %sub3A_103, %mul3A_104 : i32
      %dma_start3A_106 = arith.constant 0 : i32
      %dma_start3A_107 = arith.constant 0 : i32
      %dma_start3A_108 = tpu.memref_slice %arg8[%rem3A_36, %dma_start3A_106, %dma_start3A_107] : memref<3x256x128xf32, #tpu.memory_space<vmem>> -> memref<1x128x128xf32, #tpu.memory_space<vmem>>
      %dma_start3A_109 = tpu.memref_squeeze %dma_start3A_108 : memref<1x128x128xf32, #tpu.memory_space<vmem>> -> memref<128x128xf32, #tpu.memory_space<vmem>>
      %dma_start3A_110 = arith.constant 0 : i32
      %dma_start3A_111 = tpu.memref_slice %arg5[%mul3A_105, %dma_start3A_110] : memref<4096x128xf32, #tpu.memory_space<hbm>> -> memref<128x128xf32, #tpu.memory_space<hbm>>
      %dma_start3A_112 = arith.constant 0 : i32
      %dma_start3A_113 = tpu.memref_slice %arg5[%mul3A_105, %dma_start3A_112] : memref<4096x128xf32, #tpu.memory_space<hbm>> -> memref<128x128xf32, #tpu.memory_space<hbm>>
      %dma_start3A_114 = arith.constant 0 : i32
      %dma_start3A_115 = arith.constant 0 : i32
      %dma_start3A_116 = tpu.memref_slice %arg8[%rem3A_36, %dma_start3A_114, %dma_start3A_115] : memref<3x256x128xf32, #tpu.memory_space<vmem>> -> memref<1x128x128xf32, #tpu.memory_space<vmem>>
      %dma_start3A_117 = tpu.memref_squeeze %dma_start3A_116 : memref<1x128x128xf32, #tpu.memory_space<vmem>> -> memref<128x128xf32, #tpu.memory_space<vmem>>
      tpu.enqueue_dma source(%dma_start3A_117 : memref<128x128xf32, #tpu.memory_space<vmem>>) target(%dma_start3A_113 : memref<128x128xf32, #tpu.memory_space<hbm>>) target_semaphore(%arg10 : memref<!tpu.dma_semaphore, #tpu.memory_space<semaphore_mem>>)
    } else {
    }
    %ge3A_82 = arith.constant 672 : i32
    %ge3A_83 = arith.cmpi sge, %select_n3A, %ge3A_82 : i32
    %convert_element_type3A_84 = arith.extui %ge3A_83 : i1 to i32
    %cond3A_85 = arith.constant 0 : i32
    %cond3A_86 = arith.cmpi ne, %convert_element_type3A_84, %cond3A_85 : i32
    scf.if %cond3A_86 {
      %sub3A_102 = arith.constant 640 : i32
      %sub3A_103 = arith.subi %select_n3A, %sub3A_102 : i32
      %sub3A_104 = arith.constant 32 : i32
      %sub3A_105 = arith.subi %sub3A_103, %sub3A_104 : i32
      %mul3A_106 = arith.constant 128 : i32
      %mul3A_107 = arith.muli %sub3A_105, %mul3A_106 : i32
      %dma_start3A_108 = arith.constant 0 : i32
      %dma_start3A_109 = arith.constant 0 : i32
      %dma_start3A_110 = tpu.memref_slice %arg8[%rem3A_36, %dma_start3A_108, %dma_start3A_109] : memref<3x256x128xf32, #tpu.memory_space<vmem>> -> memref<1x128x128xf32, #tpu.memory_space<vmem>>
      %dma_start3A_111 = tpu.memref_squeeze %dma_start3A_110 : memref<1x128x128xf32, #tpu.memory_space<vmem>> -> memref<128x128xf32, #tpu.memory_space<vmem>>
      %dma_start3A_112 = arith.constant 0 : i32
      %dma_start3A_113 = tpu.memref_slice %arg6[%mul3A_107, %dma_start3A_112] : memref<81920x128xf32, #tpu.memory_space<hbm>> -> memref<128x128xf32, #tpu.memory_space<hbm>>
      %dma_start3A_114 = arith.constant 0 : i32
      %dma_start3A_115 = tpu.memref_slice %arg6[%mul3A_107, %dma_start3A_114] : memref<81920x128xf32, #tpu.memory_space<hbm>> -> memref<128x128xf32, #tpu.memory_space<hbm>>
      %dma_start3A_116 = arith.constant 0 : i32
      %dma_start3A_117 = arith.constant 0 : i32
      %dma_start3A_118 = tpu.memref_slice %arg8[%rem3A_36, %dma_start3A_116, %dma_start3A_117] : memref<3x256x128xf32, #tpu.memory_space<vmem>> -> memref<1x128x128xf32, #tpu.memory_space<vmem>>
      %dma_start3A_119 = tpu.memref_squeeze %dma_start3A_118 : memref<1x128x128xf32, #tpu.memory_space<vmem>> -> memref<128x128xf32, #tpu.memory_space<vmem>>
      tpu.enqueue_dma source(%dma_start3A_119 : memref<128x128xf32, #tpu.memory_space<vmem>>) target(%dma_start3A_115 : memref<128x128xf32, #tpu.memory_space<hbm>>) target_semaphore(%arg10 : memref<!tpu.dma_semaphore, #tpu.memory_space<semaphore_mem>>)
    } else {
    }
    %dma_wait3A_87 = arith.constant 0 : i32
    %dma_wait3A_88 = arith.constant 0 : i32
    %dma_wait3A_89 = arith.constant 0 : i32
    %dma_wait3A_90 = tpu.memref_slice %arg8[%dma_wait3A_87, %dma_wait3A_88, %dma_wait3A_89] : memref<3x256x128xf32, #tpu.memory_space<vmem>> -> memref<1x128x128xf32, #tpu.memory_space<vmem>>
    %dma_wait3A_91 = tpu.memref_squeeze %dma_wait3A_90 : memref<1x128x128xf32, #tpu.memory_space<vmem>> -> memref<128x128xf32, #tpu.memory_space<vmem>>
    %dma_wait3A_92 = arith.constant 0 : i32
    %dma_wait3A_93 = arith.constant 0 : i32
    %dma_wait3A_94 = tpu.memref_slice %arg4[%dma_wait3A_92, %dma_wait3A_93] : memref<81920x128xf32, #tpu.memory_space<hbm>> -> memref<128x128xf32, #tpu.memory_space<hbm>>
    %dma_wait3A_95 = arith.constant 0 : i32
    %dma_wait3A_96 = arith.constant 0 : i32
    %dma_wait3A_97 = tpu.memref_slice %arg4[%dma_wait3A_95, %dma_wait3A_96] : memref<81920x128xf32, #tpu.memory_space<hbm>> -> memref<128x128xf32, #tpu.memory_space<hbm>>
    %dma_wait3A_98 = arith.constant 0 : i32
    %dma_wait3A_99 = arith.constant 0 : i32
    %dma_wait3A_100 = tpu.memref_slice %arg8[%dma_wait3A_87, %dma_wait3A_98, %dma_wait3A_99] : memref<3x256x128xf32, #tpu.memory_space<vmem>> -> memref<1x128x128xf32, #tpu.memory_space<vmem>>
    %dma_wait3A_101 = tpu.memref_squeeze %dma_wait3A_100 : memref<1x128x128xf32, #tpu.memory_space<vmem>> -> memref<128x128xf32, #tpu.memory_space<vmem>>
    tpu.wait_dma2 semaphore(%arg10 : memref<!tpu.dma_semaphore, #tpu.memory_space<semaphore_mem>>) src(%dma_wait3A_101 : memref<128x128xf32, #tpu.memory_space<vmem>>) dst(%dma_wait3A_97 : memref<128x128xf32, #tpu.memory_space<hbm>>)
    return
  }
}

</mosaic_0001>

<sc_bundles>
// kernel: kernel.3.cloned.1.call-start
scs
__scs_entry_jumppad:
0x0: {  	(pc) =	sbr.rel $0x88, $3  }
0x1: {  	(tag) =	ssettag $0x0;
	lr =	simm.s32 $0x1  }
0x2: {  	[smem:$0x3F9D] =	sst lr;
	_ =	strace $0xD0000000  }
0x3: {  	_ = 	snop  }
0x4: {  	_ = 	snop  }
0x5: {  	_ = 	snop  }
0x6: {  	_ = 	snop  }
0x7: {  	_ = 	snop  }
__scs_overlays_trampoline_lowered:
0x8: {  	[smem:$0x3FAC] =	sst s0  }
0x9: {  	[smem:$0x3FAD] =	sst s1  }
0xa: {  	[smem:$0x3FAE] =	sst s2  }
0xb: {  	[smem:$0x3FAF] =	sst s3  }
0xc: {  	[smem:$0x3FB0] =	sst s4  }
0xd: {  	[smem:$0x3FB1] =	sst s5  }
0xe: {  	[smem:$0x3FB2] =	sst s6  }
0xf: {  	[smem:$0x3FB3] =	sst s7  }
0x10: {  	[smem:$0x3FB4] =	sst s8  }
0x11: {  	[smem:$0x3FB5] =	sst s9;
	s0 =	simm.s32 @!p0 $0x0  }
0x12: {  	s1 =	sld [smem:$0x3F9B];
	s0 =	simm.s32 @p0 $0x1  }
0x13: {  	[smem:$0x3FB6] =	sst s0;
	s0 =	simm.s32 @!p1 $0x0  }
0x14: {  	s2 =	sld [smem:$0x3F9A];
	s0 =	simm.s32 @p1 $0x1  }
0x15: {  	[smem:$0x3FB7] =	sst s0;
	s0 =	simm.s32 @!p2 $0x0  }
0x16: {  	s3 =	sld [smem:$0x3FDB];
	s0 =	simm.s32 @p2 $0x1  }
0x17: {  	s4 =	simm.s32 $0x1BF5;
	[smem:$0x3FB9] =	sst s0  }
0x18: {  	s0 =	sld [smem:$0x3F9C];
	_ =	swait.ge [sflag:s4], $0x0  }
0x19: {  	s7 =	sld [smem:$0x3F9D]  }
0x1a: {  	s8 =	sadd.s32 $0xFFFFE003, lr  }
0x1b: {  	s9 =	sadd.s32 $0xFFFFFEF7, lr;
	s5 =	simm.s32 $0xFFFFFFFF;
	p2 =	slt.u32 s8, $0xFFFFF086  }
0x1c: {  	p1 =	slt.u32 s9, $0xF7A;
	s5 =	simm.s32 @!p2 $0x0  }
0x1d: {  	s5 =	simm.s32 @p1 $0x1;
	p0 =	seq.s32 s7, s2  }
0x1e: {  	s7 =	smul.u32 @!p0 $0xF7A, s2;
	p2 =	seq.s32 @!p0 s5, $0x0  }
0x1f: {  	s9 =	smul.u32 $0xF7A, s1;
	s8 =	simm.s32 @!p0 $0x1BF5;
	p2 =	por !p2, p0  }
0x20: {  	[sflag:s8] =	ssyncset.s32 @!p0 $0xFFFFF086;
	s6 =	sadd.s32 @!p0 s3, s7;
	s7 =	simm.s32 @!p0 $0x108  }
0x21: {  	s3 =	sadd.s32 s3, s9;
	s6 =	sadd.s32 @!p0 $0x88, s6;
	s7 =	simm.s32 @p2 $0x1082  }
0x22: {  	[simem:s7], [sflag:s8] =	dma.local @!p0 [hbm:s6], $0xF7A  }
0x23: {  	s9 =	sor.u32 $0xD0000000, s2;
	s6 =	simm.s32 $0x108;
	_ =	swait.ge @!p0 [sflag:s8], $0x0  }
0x24: {  	s3 =	sadd.s32 $0x88, s3;
	s6 =	simm.s32 @!p1 $0x1082;
	[sflag:s4] =	ssyncset.s32 $0xFFFFF086  }
0x25: {  	[simem:s6], [sflag:s4] =	dma.local [hbm:s3], $0xF7A  }
0x26: {  	[smem:$0x3F9D] =	sst s1;
	(tag) =	ssettag s2;
	_ =	strace s9  }
0x27: {  	s1 =	sld [smem:$0x3FAD]  }
0x28: {  	s2 =	sld [smem:$0x3FAE]  }
0x29: {  	s4 =	sld [smem:$0x3FB0]  }
0x2a: {  	p0 =	seq.s32 s5, $0x0;
	s5 =	sld [smem:$0x3FB1]  }
0x2b: {  	s6 =	sld [smem:$0x3FB2]  }
0x2c: {  	s7 =	sld [smem:$0x3FB3]  }
0x2d: {  	s3 =	simm.s32 $0x108;
	s8 =	sld [smem:$0x3FB4]  }
0x2e: {  	s3 =	simm.s32 @!p0 $0x1082;
	s9 =	sld [smem:$0x3FB5]  }
0x2f: {  	lr =	sadd.s32 s0, s3;
	s0 =	sld [smem:$0x3FAC]  }
0x30: {  	s3 =	sld [smem:$0x3FAF]  }
0x31: {  	[smem:$0x3FB8] =	sst s10  }
0x32: {  	s10 =	sld [smem:$0x3FB6];
	_ =	sdelay $0x3  }
0x33: {  	p0 =	seq.s32 s10, $0x1;
	s10 =	sld [smem:$0x3FB8];
	_ =	sdelay $0x3  }
0x34: {  	[smem:$0x3FB8] =	sst s10  }
0x35: {  	s10 =	sld [smem:$0x3FB7];
	_ =	sdelay $0x3  }
0x36: {  	p1 =	seq.s32 s10, $0x1;
	s10 =	sld [smem:$0x3FB8];
	_ =	sdelay $0x3  }
0x37: {  	[smem:$0x3FB8] =	sst s10  }
0x38: {  	s10 =	sld [smem:$0x3FB9]  }
0x39: {  	_ = 	snop;
	(pc) =	sbr.ind lr, $3  }
0x3a: {  	_ = 	snop  }
0x3b: {  	_ = 	snop  }
0x3c: {  	p2 =	seq.s32 s10, $0x1;
	s10 =	sld [smem:$0x3FB8]  }
0x3d: {  	_ =	shalt  }
0x3e: {  	_ =	shalt  }
0x3f: {  	_ =	shalt  }
0x40: {  	_ =	shalt  }
0x41: {  	_ =	shalt  }
0x42: {  	_ =	shalt  }
0x43: {  	_ =	shalt  }
0x44: {  	_ =	shalt  }
0x45: {  	_ =	shalt  }
0x46: {  	_ =	shalt  }
0x47: {  	_ =	shalt  }
0x48: {  	_ =	shalt  }
0x49: {  	_ =	shalt  }
0x4a: {  	_ =	shalt  }
0x4b: {  	_ =	shalt  }
0x4c: {  	_ =	shalt  }
0x4d: {  	_ =	shalt  }
0x4e: {  	_ =	shalt  }
0x4f: {  	_ =	shalt  }
0x50: {  	_ =	shalt  }
0x51: {  	_ =	shalt  }
0x52: {  	_ =	shalt  }
0x53: {  	_ =	shalt  }
0x54: {  	_ =	shalt  }
0x55: {  	_ =	shalt  }
0x56: {  	_ =	shalt  }
0x57: {  	_ =	shalt  }
0x58: {  	_ =	shalt  }
0x59: {  	_ =	shalt  }
0x5a: {  	_ =	shalt  }
0x5b: {  	_ =	shalt  }
0x5c: {  	_ =	shalt  }
0x5d: {  	_ =	shalt  }
0x5e: {  	_ =	shalt  }
0x5f: {  	_ =	shalt  }
0x60: {  	_ =	shalt  }
0x61: {  	_ =	shalt  }
0x62: {  	_ =	shalt  }
0x63: {  	_ =	shalt  }
0x64: {  	_ =	shalt  }
0x65: {  	_ =	shalt  }
0x66: {  	_ =	shalt  }
0x67: {  	_ =	shalt  }
0x68: {  	_ =	shalt  }
0x69: {  	_ =	shalt  }
0x6a: {  	_ =	shalt  }
0x6b: {  	_ =	shalt  }
0x6c: {  	_ =	shalt  }
0x6d: {  	_ =	shalt  }
0x6e: {  	_ =	shalt  }
0x6f: {  	_ =	shalt  }
0x70: {  	_ =	shalt  }
0x71: {  	_ =	shalt  }
0x72: {  	_ =	shalt  }
0x73: {  	_ =	shalt  }
0x74: {  	_ =	shalt  }
0x75: {  	_ =	shalt  }
0x76: {  	_ =	shalt  }
0x77: {  	_ =	shalt  }
0x78: {  	_ =	shalt  }
0x79: {  	_ =	shalt  }
0x7a: {  	_ =	shalt  }
0x7b: {  	_ =	shalt  }
0x7c: {  	_ =	shalt  }
0x7d: {  	_ =	shalt  }
0x7e: {  	_ =	shalt  }
0x7f: {  	_ =	shalt  }
0x80: {  	_ =	shalt  }
0x81: {  	_ =	shalt  }
0x82: {  	_ =	shalt  }
0x83: {  	_ =	shalt  }
0x84: {  	_ =	shalt  }
0x85: {  	_ =	shalt  }
0x86: {  	_ =	shalt  }
0x87: {  	_ =	shalt  }
.Lfunc_end0:
.L_simem_size_0:
called_computation_lowered:
.L_overlay_start_0:
0x88: {  	s2 =	sld [smem:$0x3FD9]  }
0x89: {  	s3 =	sld [smem:$0x3FFE];
	_ =	sdelay $0x1  }
0x8a: {  	s1 =	srdreg.scid  }
0x8b: {  	s0 =	sand.u32 $0x1, s1  }
0x8c: {  	s14 =	sshll.u32 s0, $0xA;
	s2 =	sadd.s32 s3, s2  }
0x8d: {  	s2 =	sadd.s32 s2, s14  }
0x8e: {  	[smem:$0x3FC4] =	sst s2  }
0x8f: {  	_ = 	snop  }
0x90: {  	s2 =	sld [smem:$0x3FD0];
	_ =	sdelay $0x2  }
0x91: {  	s4 =	simm.s32 $0xA;
	s5 =	simm.s32 $0x10;
	s15 =	sld [smem:$0x3FC6]  }
0x92: {  	[smem:s5], [sflag:s4] =	dma.local [hbm:s2], $0x1  }
0x93: {  	_ =	swait.eq [sflag:s4], $0x1  }
0x94: {  	s16 =	sld [smem:$0x10];
	[sflag:s4] =	ssyncset.done $0x0  }
0x95: {  	s17 =	sld [smem:$0x11];
	[sflag:s4] =	ssyncadd.s32 $0xFFFFFFFF  }
0x96: {  	s18 =	sld [smem:$0x12];
	(tm) =	ssettm $0x1  }
0x97: {  	s6 =	sld [smem:$0x3FFB];
	_ =	sdelay $0x3  }
0x98: {  	_ =	strace s6  }
0x99: {  	s6 =	sld [smem:$0x3FFC];
	_ =	sdelay $0x3  }
0x9a: {  	_ =	strace s6  }
0x9b: {  	s6 =	sld [smem:$0x3FFD];
	_ =	sdelay $0x3  }
0x9c: {  	_ =	strace s6  }
0x9d: {  	_ =	strace $0x8FFFFFFF  }
0x9e: {  	s19 =	sld [smem:$0x3FDB];
	_ =	sdelay $0x1  }
0x9f: {  	s7 =	simm.s32 $_scs_section_size  }
0xa0: {  	s8 =	simm.s32 $_size__tile_overlayer_lowered;
	s9 =	simm.s32 $_tile_overlayer_lowered  }
0xa1: {  	s22 =	simm.s32 $0x1BFF;
	s21 =	sshll.u32 s9, $0x1;
	s6 =	sadd.s32 s7, s19  }
0xa2: {  	s10 =	simm.s32 $0x0;
	s20 =	sshll.u32 s8, $0x1;
	s8 =	sadd.s32 s21, s6  }
0xa3: {  	[timem:s10], [sflag:s22] =	dma.local [hbm:s8], s20  }
0xa4: {  	_ =	swait.ge [sflag:s22], s20  }
0xa5: {  	s7 =	ssub.s32 $0x0, s20;
	[sflag:s22] =	ssyncset.done $0x0  }
0xa6: {  	[sflag:s22] =	ssyncadd.s32 s7;
	_ =	sdelay $0x1  }
0xa7: {  	s23 =	simm.s32 $0x1B8B  }
0xa8: {  	_ =	swait.ge [sflag:s23], $0x1  }
0xa9: {  	[sflag:s23] =	ssyncset.done $0x0  }
0xaa: {  	s25 =	simm.s32 $0x1B8E;
	s24 =	sld [smem:$0x3FFE];
	[sflag:s23] =	ssyncadd.s32 $0xFFFFFFFF  }
0xab: {  	s26 =	simm.s32 $execute0_lowered;
	[smem:$0x3FD2] =	sst s25  }
0xac: {  	s8 =	sshll.u32 s26, $0x1;
	_ =	strace $0x80000046;
	[dreg:$0x1] =	wrdreg $0xFFFFFFFF  }
0xad: {  	s28 =	simm.s32 $_size_execute0_lowered;
	s6 =	sadd.s32 s6, s8;
	[dreg:$0x0] =	wrdreg $0x0  }
0xae: {  	s8 =	sshll.u32 s28, $0x1;
	[dreg:$0x2] =	wrdreg s6  }
0xaf: {  	[dreg:$0x3] =	wrdreg s8  }
0xb0: {  	[dreg:$0x4] =	wrdreg $0xC0  }
0xb1: {  	_ =	task [dreg:s10], $0x5FFFF  }
0xb2: {  	[dreg:$0x1] =	wrdreg $0xFFFFFFFF  }
0xb3: {  	[dreg:$0x0] =	wrdreg $0x60  }
0xb4: {  	[dreg:$0x2] =	wrdreg s24  }
0xb5: {  	[dreg:$0x3] =	wrdreg s15  }
0xb6: {  	[dreg:$0x4] =	wrdreg s16  }
0xb7: {  	[dreg:$0x5] =	wrdreg s17  }
0xb8: {  	[dreg:$0x6] =	wrdreg s18  }
0xb9: {  	[dreg:$0x7] =	wrdreg $0x9  }
0xba: {  	_ =	task.clear_ibuf [dreg:s10], $0x8FFFF;
	_ =	strace $0x90000046  }
0xbb: {  	s29 =	simm.s32 $0x9;
	_ =	strace $0x80000048  }
0xbc: {  	_ =	swait.ge [sflag:s29], $0x1  }
0xbd: {  	[sflag:s29] =	ssyncadd.s32 $0xFFFFFFFF  }
0xbe: {  	_ =	strace $0x90000048  }
0xbf: {  	_ =	sfence  }
0xc0: {  	s30 =	sld [smem:$0x0];
	_ =	sdelay $0x2  }
0xc1: {  	s31 =	sshll.u32 s1, $0xD;
	s1 =	sshrl.u32 s1, $0x2  }
0xc2: {  	s3 =	sand.u32 $0x4000, s31;
	s1 =	sadd.s32 s1, s30  }
0xc3: {  	s0 =	sor.u32 s3, s0;
	s1 =	sshll.u32 s1, $0x11  }
0xc4: {  	s0 =	sor.u32 s1, s0  }
0xc5: {  	s0 =	sadd.s32 $0x8F2B, s0  }
0xc6: {  	[sflag:s0] =	ssyncadd.remote.s32 $0x1  }
0xc7: {  	_ =	sfence.sel $0xFFFF  }
0xc8: {  	[dreg:$0x0] =	wrdreg $0xFFFFFFFF;
	(pc) =	sbr.abs _section_cstart, $3  }
0xc9: {  	[dreg:$0x1] =	wrdreg $0xFFFFFFFF  }
0xca: {  	_ =	task.clear_ibuf [dreg:s10], $0x2FFFF;
	_ =	strace $0x9FFFFFFF  }
0xcb: {  	(tm) =	ssettm $0x7FFFFFFF  }
tec
execute0_lowered:
.L_overlay_start_1:
0x0: {  	(tag) =	ssettag $0x1  }
0x1: {  	s4 =	rddreg [dreg:$0x0]  }
0x2: {  	s1 =	rddreg [dreg:$0x1]  }
0x3: {  	s5 =	rddreg [dreg:$0x2]  }
0x4: {  	s6 =	rddreg [dreg:$0x3];
	s2 =	srdreg.scid  }
0x5: {  	s0 =	stileid.u32;
	s7 =	rddreg [dreg:$0x4]  }
0x6: {  	s13 =	simm.s32 $0x1480;
	s14 =	simm.s32 $0x9480;
	s15 =	simm.s32 $0x1  }
0x7: {  	s17 =	simm.s32 $0x11480;
	s19 =	simm.s32 $0x0;
	s8 =	sand.u32 $0x1, s2  }
0x8: {  	s3 =	sshll.u32 s0, $0x1;
	s2 =	rddreg [dreg:$0x5];
	s9 =	sshrl.u32 s0, $0x2  }
0x9: {  	p2 =	slt.u32 s0, $0x8;
	s16 =	sor.u32 s8, s3;
	s3 =	simm.s32 $0x0  }
0xa: {  	s9 =	smul.u32 $0xA400, s9;
	s8 =	ssub.s32 $0x2, s8;
	s10 =	sshll.u32 s16, $0x7  }
0xb: {  	[smem:$0x7FF] =	sst s3;
	s28 =	smul.u32 $0x1480, s16;
	s29 =	sshrl.u32 s8, $0x1  }
0xc: {  	s11 =	smul.u32 $0xA4000, s16;
	p0 =	sgt.u32 s16, $0xE;
	s16 =	simm.s32 $0x1400  }
0xd: {  	s10 =	sand.u32 $0x380, s10;
	_ =	strace $0x80000047;
	s8 =	ssub.s32 s8, s29  }
0xe: {  	s9 =	sor.u32 s9, s10;
	s30 =	sadd.s32 $0x1400, s28;
	s12 =	sadd.s32 $0xFF6A0000, s11  }
0xf: {  	s11 =	sadd.s32 $0xFF620000, s11;
	s8 =	smax.u32 s8, $0x1;
	s9 =	sshrl.u32 s9, $0x3  }
0x10: {  	s10 =	sshll.u32 s30, $0x4;
	s31 =	sshrl.u32 s12, $0x3;
	s11 =	sshrl.u32 s11, $0x3  }
0x11: {  	s18 =	sand.u32 $0x7F000, s30;
	s12 =	simm.s32 $0x100;
	s4 =	sadd.s32 s9, s4  }
0x12: {  	s5 =	sadd.s32 s5, s10;
	s6 =	sadd.s32 s6, s31;
	s7 =	sadd.s32 s7, s11  }
0x13: {  	s9 =	simm.s32 $0x80;
	s10 =	simm.s32 $0x400;
	s11 =	simm.s32 $0x3  }
0x14: {  	p1 =	sne.s32 s18, $0x14000;
	s18 =	simm.s32 $0x2;
	s4 =	sadd.s32 $0x800, s4  }
.LBB2_1:
0x15: {  	[tilespmem:s3], [sflag:$0x3] =	stream.strided.gather [hbm4b:s4+s9], $0x1480, s10, s9, $0x38;
	[tilespmem:$0x19480] =	vst v63  }
0x16: {  	p3 =	por $0x0, $0x0  }
0x17: {  	_ =	swait.ge [sflag:s11], $0x1480;
	s20 =	smul.u32 @!p3 $0xAB, s18  }
0x18: {  	[sflag:s11] =	ssyncset.done $0x0  }
0x19: {  	[sflag:s11] =	ssyncadd.s32 $0xFFFFEB80;
	s20 =	sshrl.u32 @!p3 s20, $0x9  }
0x1a: {  	[tilespmem:s13], [sflag:$0x1] =	stream.indirect.gather [hbm4b:s1+s12], $0x80, s3, s12, $0xb8;
	[tilespmem:$0x19480] =	vst v63  }
0x1b: {  	s20 =	sand.u32 @!p3 $0x7F, s20  }
0x1c: {  	s21 =	simm.s32 $0x3;
	p4 =	por p3, p3;
	s22 =	smul.u32 @!p3 $0x3, s20  }
0x1d: {  	[tilespmem:s14], [sflag:$0x1] =	stream.indirect.gather [hbm4b:s1+s12], $0x80, s12, s12, $0xb8;
	[tilespmem:$0x19480] =	vst v63  }
0x1e: {  	s24 =	simm.s32 @!p4 $0x100;
	p3 =	por $0x0, $0x0;
	s22 =	ssub.s32 @!p4 $0x2, s22  }
0x1f: {  	s23 =	smul.u32 @!p3 $0xAB, s21;
	_ =	swait.ge [sflag:s15], $0x8000;
	s22 =	sand.u32 @!p4 $0xFF, s22  }
0x20: {  	s20 =	simm.s32 $0x200;
	[sflag:s15] =	ssyncset.done $0x0;
	s22 =	sshll.u32 @!p4 s22, $0xF  }
0x21: {  	s23 =	sshrl.u32 @!p3 s23, $0x9;
	[sflag:s15] =	ssyncadd.s32 $0xFFFF8000;
	s22 =	sor.u32 @!p4 $0x1480, s22  }
0x22: {  	[tilespmem:s22], [sflag:$0x1] =	stream.indirect.gather @!p4 [hbm4b:s1+s24], $0x80, s20, s24, $0xb8;
	[tilespmem:$0x19480] =	vst v63  }
0x23: {  	s23 =	sand.u32 @!p3 $0x7F, s23;
	s22 =	simm.s32 $0x4  }
.LBB2_2:
0x24: {  	s24 =	sadd.s32 $0xFFFFFFFE, s22;
	_ =	swait.ge [sflag:s15], $0x8000  }
0x25: {  	s23 =	smul.u32 @!p3 $0x3, s23;
	s25 =	smov.u32 s21;
	s21 =	smov.u32 s22  }
0x26: {  	p4 =	por p3, p3;
	s22 =	sadd.s32 $0x1, s22;
	p3 =	sgt.u32 s24, $0x11  }
0x27: {  	p5 =	sne.s32 s22, $0x16;
	s24 =	smul.u32 @!p3 $0xAB, s21  }
.Ltmp0:
0x28: {  	s23 =	ssub.s32 @!p4 s25, s23;
	(pc) =	sbr.rel @p5 .LBB2_2-.Ltmp0, $4  }
0x29: {  	s20 =	sadd.s32 $0x100, s20;
	s25 =	simm.s32 @!p4 $0x100;
	s23 =	sand.u32 @!p4 $0xFF, s23  }
0x2a: {  	s24 =	sshrl.u32 @!p3 s24, $0x9;
	[sflag:s15] =	ssyncset.done $0x0;
	s26 =	sshll.u32 @!p4 s23, $0xF  }
0x2b: {  	s23 =	sand.u32 @!p3 $0x7F, s24;
	[sflag:s15] =	ssyncadd.s32 $0xFFFF8000;
	s24 =	sor.u32 @!p4 $0x1480, s26  }
0x2c: {  	[tilespmem:s24], [sflag:$0x1] =	stream.indirect.gather @!p4 [hbm4b:s1+s25], $0x80, s20, s25, $0xb8;
	[tilespmem:$0x19480] =	vst v63  }
0x2d: {  	s22 =	smul.u32 @!p3 $0x3, s23  }
0x2e: {  	p3 =	por p3, p3  }
0x2f: {  	s21 =	ssub.s32 @!p3 s21, s22  }
0x30: {  	_ =	swait.ge [sflag:s15], $0x8000;
	s21 =	sand.u32 @!p3 $0xFF, s21  }
0x31: {  	s20 =	sadd.s32 $0x100, s20;
	[sflag:s15] =	ssyncset.done $0x0;
	s21 =	sshll.u32 @!p3 s21, $0xF  }
0x32: {  	s22 =	simm.s32 @!p3 $0x100;
	[sflag:s15] =	ssyncadd.s32 $0xFFFF8000;
	s21 =	sor.u32 @!p3 $0x1480, s21  }
0x33: {  	[tilespmem:s21], [sflag:$0x1] =	stream.indirect.gather @!p3 [hbm4b:s1+s22], $0x80, s20, s22, $0xb8;
	[tilespmem:$0x19480] =	vst v63  }
0x34: {  	_ = 	snop  }
0x35: {  	[tilespmem:s17], [sflag:$0x1] =	stream.indirect.gather [hbm4b:s1+s9], $0x80, s16, s9, $0xb8;
	[tilespmem:$0x19480] =	vst v63  }
0x36: {  	_ =	swait.ge [sflag:s15], $0x4000  }
0x37: {  	s19 =	sadd.s32 $0x1, s19;
	[sflag:s15] =	ssyncset.done $0x0  }
0x38: {  	s20 =	simm.s32 @!p0 $0x0;
	s21 =	simm.s32 @!p0 $0x11480;
	[sflag:s15] =	ssyncadd.s32 $0xFFFFC000  }
0x39: {  	[hbm4b:s5+s20] =	stream.linear.scatter @!p0 [tilespmem:s21], [sflag:$0x2], $0x4000, $0x38;
	[tilespmem:$0x19480] =	vst v63  }
0x3a: {  	p3 =	sne.s32 s19, s8;
	s20 =	simm.s32 @!p1 $0x0;
	s21 =	simm.s32 @!p1 $0x11480  }
0x3b: {  	[hbm4b:s6+s20] =	stream.linear.scatter @!p1 [tilespmem:s21], [sflag:$0x2], $0x4000, $0x38;
	[tilespmem:$0x19480] =	vst v63  }
.Ltmp1:
0x3c: {  	s20 =	simm.s32 @!p2 $0x0;
	s21 =	simm.s32 @!p2 $0x11480;
	(pc) =	sbr.rel @p3 .LBB2_1-.Ltmp1, $4  }
0x3d: {  	[hbm4b:s7+s20] =	stream.linear.scatter @!p2 [tilespmem:s21], [sflag:$0x2], $0x4000, $0x38;
	[tilespmem:$0x19480] =	vst v63  }
0x3e: {  	_ =	swait.ge [sflag:s18], $0x4000  }
0x3f: {  	[sflag:s18] =	ssyncset.done $0x0  }
0x40: {  	[sflag:s18] =	ssyncadd.s32 $0xFFFFC000  }
0x41: {  	_ =	sfence.sel $0x180000  }
0x42: {  	[bflag:$0x0] =	sbarrier.arrive $0xFFFF  }
0x43: {  	p0 =	sne.s32 s0, $0x0;
	_ =	strace $0x90000047  }
0x44: {  	s0 =	sadd.s32 @!p0 $0x100000, s2;
	[bflag:$0x2] =	sbarrier.arrive $0xFFFF  }
0x45: {  	[sflag:s0] =	ssyncadd.tile.s32 @!p0 $0x1;
	_ =	shalt  }
.Lfunc_end2:
_tile_overlayer_lowered:
.L_overlay_start_2:
0x46: {  	(tag) =	ssettag $0x2  }
0x47: {  	s0 =	rddreg [dreg:$0x0];
	s2 =	stileid.u32  }
0x48: {  	s1 =	rddreg [dreg:$0x1];
	p0 =	sne.s32 s2, $0x0  }
0x49: {  	s3 =	rddreg [dreg:$0x2];
	[bflag:$0x3] =	sbarrier.arrive $0xFFFF;
	s2 =	simm.s32 @!p0 $0x1C03  }
0x4a: {  	[timem:s3], [sflag:s2] =	dma.local @!p0 [hbm:s0], s1  }
0x4b: {  	s0 =	simm.s32 @!p0 $0x3  }
0x4c: {  	_ =	swait.ge @!p0 [sflag:s0], s1  }
0x4d: {  	s1 =	ssub.s32 @!p0 $0x0, s1;
	[sflag:s0] =	ssyncset.done @!p0 $0x0  }
0x4e: {  	[sflag:s0] =	ssyncadd.s32 @!p0 s1  }
0x4f: {  	[bflag:$0x3] =	sbarrier.arrive $0xFFFF  }
0x50: {  	_ =	shalt  }

</sc_bundles>
